<compile_context>
chip_gen: v7x
topology: tpu7x:2x2x1
jax: 0.10.2.dev20260603
libtpu: 0.0.44.dev20260713+nightly
codegen_flags: <defaults>
</compile_context>

<pallas_src>
import functools

import jax
import jax.numpy as jnp
from jax import lax
from jax.experimental import pallas as pl
from jax.experimental.pallas import tpu as pltpu
from jax.experimental.pallas import tpu_sc as plsc

_D = 128
_CHUNK = 128


@functools.lru_cache(maxsize=None)
def _build(n_idx, n_rows):
    info = plsc.get_sparse_core_info()
    nc, ns = info.num_cores, info.num_subcores
    nw = nc * ns
    assert n_rows % (nw * _CHUNK) == 0
    n_chunks = n_idx
    NBUF = 5
    AHEAD = 4
    assert n_chunks % NBUF == 0 and AHEAD < NBUF
    mesh = plsc.VectorSubcoreMesh(core_axis_name="c", subcore_axis_name="s")

    @functools.partial(
        pl.kernel,
        mesh=mesh,
        out_type=jax.ShapeDtypeStruct((n_idx * n_rows, _D), jnp.float32),
        scratch_types=[
            pltpu.VMEM((n_idx, _CHUNK), jnp.int32),
        ]
        + [pltpu.VMEM((_CHUNK, _D), jnp.float32) for _ in range(NBUF)]
        + [pltpu.SemaphoreType.DMA for _ in range(2 * NBUF)],
        compiler_params=pltpu.CompilerParams(
            use_tc_tiling_on_sc=True, skip_device_barrier=True
        ),
    )
    def gather_kernel(xt_hbm, table_hbm, out_hbm, idx_v, *rest):
        bufs = rest[:NBUF]
        gsem = rest[NBUF : 2 * NBUF]
        ssem = rest[2 * NBUF :]
        wid = lax.axis_index("s") * nc + lax.axis_index("c")
        col0 = wid * _CHUNK
        pltpu.sync_copy(xt_hbm.at[:, pl.ds(col0, _CHUNK)], idx_v)

        def gather(j, b):
            return pltpu.make_async_copy(
                table_hbm.at[idx_v.at[j]], bufs[b], gsem[b]
            )

        def store(j, b):
            return pltpu.make_async_copy(
                bufs[b],
                out_hbm.at[pl.ds(j * n_rows + col0, _CHUNK)],
                ssem[b],
            )

        for b in range(AHEAD):
            gather(b, b).start()

        def outer(g, _):
            for b in range(NBUF):
                j = g * NBUF + b
                bf = (b + AHEAD) % NBUF

                @pl.when(j + AHEAD < n_chunks)
                def _issue():
                    @pl.when(j + AHEAD >= NBUF)
                    def _drain():
                        store(j + AHEAD - NBUF, bf).wait()

                    gather(j + AHEAD, bf).start()

                gather(j, b).wait()
                store(j, b).start()
            return 0

        lax.fori_loop(0, n_chunks // NBUF, outer, 0)
        for b in range(NBUF):
            store(n_chunks - NBUF + b, b).wait()

    return gather_kernel


def kernel(x, weight):
    n_rows, n_idx = x.shape
    out = _build(n_idx, n_rows)(x.T.astype(jnp.int32), weight)
    return out.reshape(n_idx, n_rows, _D).transpose(1, 0, 2)

# --- scband reference (transcript-rebuilt; emitter-appended) ---
"""Pipeline reference for scband-embedding-69114613727769 (READ-ONLY COPY).

The authoritative reference and input builder live on the scoring server;
editing this copy changes nothing except your own understanding.
"""

import jax, jax.numpy as jnp
import numpy as np

NUM_EMBEDDINGS = 100000
EMBEDDING_DIM = 128

def _trunc_normal(key, shape, dtype=jnp.float32):
    # torch trunc_normal_ default: mean=0, std=1, a=-2, b=2
    return jax.random.truncated_normal(key, -2.0, 2.0, shape, dtype)

def setup_inputs(seed: int = 0) -> dict:
    key = jax.random.key(seed)
    k_idx, k_w = jax.random.split(key)
    x = jax.random.randint(k_idx, (4096, 50), 0, NUM_EMBEDDINGS, dtype=jnp.int64 if jax.config.jax_enable_x64 else jnp.int32)
    weight = _trunc_normal(k_w, (NUM_EMBEDDINGS, EMBEDDING_DIM))
    return {"x": x, "weight": weight}

def reference(x, weight):
    # Embedding lookup: weight[x]
    return jnp.take(weight, x, axis=0)

if __name__ == "__main__":
    import jax
    _d = setup_inputs()
    print(jax.jit(kernel)(*tuple(_d.values())))

</pallas_src>

<mosaic_0001>
#map = affine_map<(d0, d1) -> (0, 0)>
module attributes {stable_mosaic.version = 14 : i64} {
  func.func @gather_kernel(%arg0: i32, %arg1: i32, %arg2: memref<50x4096xi32, #tpu.memory_space<hbm>>, %arg3: memref<100000x128xf32, #tpu.memory_space<hbm>>, %arg4: memref<204800x128xf32, #tpu.memory_space<hbm>>, %arg5: memref<50x128xi32, #tpu.memory_space<vmem>>, %arg6: memref<128x128xf32, #tpu.memory_space<vmem>>, %arg7: memref<128x128xf32, #tpu.memory_space<vmem>>, %arg8: memref<128x128xf32, #tpu.memory_space<vmem>>, %arg9: memref<128x128xf32, #tpu.memory_space<vmem>>, %arg10: memref<128x128xf32, #tpu.memory_space<vmem>>, %arg11: memref<!tpu.dma_semaphore, #tpu.memory_space<semaphore_mem>>, %arg12: memref<!tpu.dma_semaphore, #tpu.memory_space<semaphore_mem>>, %arg13: memref<!tpu.dma_semaphore, #tpu.memory_space<semaphore_mem>>, %arg14: memref<!tpu.dma_semaphore, #tpu.memory_space<semaphore_mem>>, %arg15: memref<!tpu.dma_semaphore, #tpu.memory_space<semaphore_mem>>, %arg16: memref<!tpu.dma_semaphore, #tpu.memory_space<semaphore_mem>>, %arg17: memref<!tpu.dma_semaphore, #tpu.memory_space<semaphore_mem>>, %arg18: memref<!tpu.dma_semaphore, #tpu.memory_space<semaphore_mem>>, %arg19: memref<!tpu.dma_semaphore, #tpu.memory_space<semaphore_mem>>, %arg20: memref<!tpu.dma_semaphore, #tpu.memory_space<semaphore_mem>>) attributes {dimension_semantics = [#tpu.dimension_semantics<core_parallel>, #tpu.dimension_semantics<subcore_parallel>], iteration_bounds = array<i64: 2, 16>, scalar_prefetch = 0 : i64, scratch_operands = 16 : i64, tpu.core_type = #tpu.core_type<sc_vector_subcore>, window_params = [{transform_indices = #map}, {transform_indices = #map}, {transform_indices = #map}]} {
    %mul3A = arith.constant 2 : i32
    %mul3A_0 = arith.muli %arg1, %mul3A : i32
    %add3A = arith.addi %mul3A_0, %arg0 : i32
    %mul3A_1 = arith.constant 128 : i32
    %mul3A_2 = arith.muli %add3A, %mul3A_1 : i32
    "tpu.region"() ({
      %run_scoped3A = tpu.sem_alloc : memref<!tpu.dma_semaphore, #tpu.memory_space<semaphore_mem>>
      %dma_start3A_65 = arith.constant 0 : i32
      %dma_start3A_66 = tpu.memref_slice %arg2[%dma_start3A_65, %mul3A_2] : memref<50x4096xi32, #tpu.memory_space<hbm>> -> memref<50x128xi32, #tpu.memory_space<hbm>>
      %dma_start3A_67 = arith.constant 0 : i32
      %dma_start3A_68 = tpu.memref_slice %arg2[%dma_start3A_67, %mul3A_2] : memref<50x4096xi32, #tpu.memory_space<hbm>> -> memref<50x128xi32, #tpu.memory_space<hbm>>
      tpu.enqueue_dma source(%dma_start3A_68 : memref<50x128xi32, #tpu.memory_space<hbm>>) target(%arg5 : memref<50x128xi32, #tpu.memory_space<vmem>>) target_semaphore(%run_scoped3A : memref<!tpu.dma_semaphore, #tpu.memory_space<semaphore_mem>>)
      %dma_wait3A_69 = arith.constant 0 : i32
      %dma_wait3A_70 = tpu.memref_slice %arg2[%dma_wait3A_69, %mul3A_2] : memref<50x4096xi32, #tpu.memory_space<hbm>> -> memref<50x128xi32, #tpu.memory_space<hbm>>
      %dma_wait3A_71 = arith.constant 0 : i32
      %dma_wait3A_72 = tpu.memref_slice %arg2[%dma_wait3A_71, %mul3A_2] : memref<50x4096xi32, #tpu.memory_space<hbm>> -> memref<50x128xi32, #tpu.memory_space<hbm>>
      tpu.wait_dma2 semaphore(%run_scoped3A : memref<!tpu.dma_semaphore, #tpu.memory_space<semaphore_mem>>) src(%dma_wait3A_72 : memref<50x128xi32, #tpu.memory_space<hbm>>) dst(%arg5 : memref<50x128xi32, #tpu.memory_space<vmem>>)
      tpu.yield
    }) : () -> ()
    %dma_start3A = arith.constant 0 : i32
    %dma_start3A_3 = arith.constant 0 : i32
    %dma_start3A_4 = tpu.memref_slice %arg5[%dma_start3A, %dma_start3A_3] : memref<50x128xi32, #tpu.memory_space<vmem>> -> memref<1x128xi32, #tpu.memory_space<vmem>>
    %dma_start3A_5 = tpu.memref_squeeze %dma_start3A_4 : memref<1x128xi32, #tpu.memory_space<vmem>> -> memref<128xi32, #tpu.memory_space<vmem>>
    %dma_start3A_6 = arith.constant 0 : i32
    %dma_start3A_7 = arith.constant 0 : i32
    %dma_start3A_8 = tpu.memref_slice %arg3[%dma_start3A_6, %dma_start3A_7] : memref<100000x128xf32, #tpu.memory_space<hbm>> -> memref<100000x128xf32, #tpu.memory_space<hbm>>
    tpu.enqueue_indirect_dma source(%dma_start3A_8 : memref<100000x128xf32, #tpu.memory_space<hbm>>) target(%arg6 : memref<128x128xf32, #tpu.memory_space<vmem>>) offsets(%dma_start3A_5 : memref<128xi32, #tpu.memory_space<vmem>>) semaphore(%arg11 : memref<!tpu.dma_semaphore, #tpu.memory_space<semaphore_mem>>)
    %dma_start3A_9 = arith.constant 1 : i32
    %dma_start3A_10 = arith.constant 0 : i32
    %dma_start3A_11 = tpu.memref_slice %arg5[%dma_start3A_9, %dma_start3A_10] : memref<50x128xi32, #tpu.memory_space<vmem>> -> memref<1x128xi32, #tpu.memory_space<vmem>>
    %dma_start3A_12 = tpu.memref_squeeze %dma_start3A_11 : memref<1x128xi32, #tpu.memory_space<vmem>> -> memref<128xi32, #tpu.memory_space<vmem>>
    %dma_start3A_13 = arith.constant 0 : i32
    %dma_start3A_14 = arith.constant 0 : i32
    %dma_start3A_15 = tpu.memref_slice %arg3[%dma_start3A_13, %dma_start3A_14] : memref<100000x128xf32, #tpu.memory_space<hbm>> -> memref<100000x128xf32, #tpu.memory_space<hbm>>
    tpu.enqueue_indirect_dma source(%dma_start3A_15 : memref<100000x128xf32, #tpu.memory_space<hbm>>) target(%arg7 : memref<128x128xf32, #tpu.memory_space<vmem>>) offsets(%dma_start3A_12 : memref<128xi32, #tpu.memory_space<vmem>>) semaphore(%arg12 : memref<!tpu.dma_semaphore, #tpu.memory_space<semaphore_mem>>)
    %dma_start3A_16 = arith.constant 2 : i32
    %dma_start3A_17 = arith.constant 0 : i32
    %dma_start3A_18 = tpu.memref_slice %arg5[%dma_start3A_16, %dma_start3A_17] : memref<50x128xi32, #tpu.memory_space<vmem>> -> memref<1x128xi32, #tpu.memory_space<vmem>>
    %dma_start3A_19 = tpu.memref_squeeze %dma_start3A_18 : memref<1x128xi32, #tpu.memory_space<vmem>> -> memref<128xi32, #tpu.memory_space<vmem>>
    %dma_start3A_20 = arith.constant 0 : i32
    %dma_start3A_21 = arith.constant 0 : i32
    %dma_start3A_22 = tpu.memref_slice %arg3[%dma_start3A_20, %dma_start3A_21] : memref<100000x128xf32, #tpu.memory_space<hbm>> -> memref<100000x128xf32, #tpu.memory_space<hbm>>
    tpu.enqueue_indirect_dma source(%dma_start3A_22 : memref<100000x128xf32, #tpu.memory_space<hbm>>) target(%arg8 : memref<128x128xf32, #tpu.memory_space<vmem>>) offsets(%dma_start3A_19 : memref<128xi32, #tpu.memory_space<vmem>>) semaphore(%arg13 : memref<!tpu.dma_semaphore, #tpu.memory_space<semaphore_mem>>)
    %dma_start3A_23 = arith.constant 3 : i32
    %dma_start3A_24 = arith.constant 0 : i32
    %dma_start3A_25 = tpu.memref_slice %arg5[%dma_start3A_23, %dma_start3A_24] : memref<50x128xi32, #tpu.memory_space<vmem>> -> memref<1x128xi32, #tpu.memory_space<vmem>>
    %dma_start3A_26 = tpu.memref_squeeze %dma_start3A_25 : memref<1x128xi32, #tpu.memory_space<vmem>> -> memref<128xi32, #tpu.memory_space<vmem>>
    %dma_start3A_27 = arith.constant 0 : i32
    %dma_start3A_28 = arith.constant 0 : i32
    %dma_start3A_29 = tpu.memref_slice %arg3[%dma_start3A_27, %dma_start3A_28] : memref<100000x128xf32, #tpu.memory_space<hbm>> -> memref<100000x128xf32, #tpu.memory_space<hbm>>
    tpu.enqueue_indirect_dma source(%dma_start3A_29 : memref<100000x128xf32, #tpu.memory_space<hbm>>) target(%arg9 : memref<128x128xf32, #tpu.memory_space<vmem>>) offsets(%dma_start3A_26 : memref<128xi32, #tpu.memory_space<vmem>>) semaphore(%arg14 : memref<!tpu.dma_semaphore, #tpu.memory_space<semaphore_mem>>)
    %scan3A = arith.constant 0 : i32
    %scan3A_30 = arith.constant 0 : i32
    %scan3A_31 = arith.constant 10 : i32
    %scan3A_32 = arith.addi %scan3A_30, %scan3A_31 : i32
    %scan3A_33 = arith.constant 1 : i32
    %scan3A_34 = scf.for %scan3A_65 = %scan3A_30 to %scan3A_32 step %scan3A_33 iter_args(%scan3A_66 = %scan3A) -> (i32)  : i32 {
      %mul3A_67 = arith.constant 5 : i32
      %mul3A_68 = arith.muli %scan3A_65, %mul3A_67 : i32
      %add3A_69 = arith.constant 0 : i32
      %add3A_70 = arith.addi %mul3A_68, %add3A_69 : i32
      %add3A_71 = arith.constant 4 : i32
      %add3A_72 = arith.addi %add3A_70, %add3A_71 : i32
      %lt3A = arith.constant 50 : i32
      %lt3A_73 = arith.cmpi slt, %add3A_72, %lt3A : i32
      %convert_element_type3A = arith.extui %lt3A_73 : i1 to i32
      %cond3A = arith.constant 0 : i32
      %cond3A_74 = arith.cmpi ne, %convert_element_type3A, %cond3A : i32
      scf.if %cond3A_74 {
        %add3A_185 = arith.constant 4 : i32
        %add3A_186 = arith.addi %add3A_70, %add3A_185 : i32
        %ge3A = arith.constant 5 : i32
        %ge3A_187 = arith.cmpi sge, %add3A_186, %ge3A : i32
        %convert_element_type3A_188 = arith.extui %ge3A_187 : i1 to i32
        %cond3A_189 = arith.constant 0 : i32
        %cond3A_190 = arith.cmpi ne, %convert_element_type3A_188, %cond3A_189 : i32
        scf.if %cond3A_190 {
          %add3A_199 = arith.constant 4 : i32
          %add3A_200 = arith.addi %add3A_70, %add3A_199 : i32
          %sub3A = arith.constant 5 : i32
          %sub3A_201 = arith.subi %add3A_200, %sub3A : i32
          %mul3A_202 = arith.constant 4096 : i32
          %mul3A_203 = arith.muli %sub3A_201, %mul3A_202 : i32
          %add3A_204 = arith.addi %mul3A_203, %mul3A_2 : i32
          %dma_wait3A_205 = arith.constant 0 : i32
          %dma_wait3A_206 = tpu.memref_slice %arg4[%add3A_204, %dma_wait3A_205] : memref<204800x128xf32, #tpu.memory_space<hbm>> -> memref<128x128xf32, #tpu.memory_space<hbm>>
          %dma_wait3A_207 = arith.constant 0 : i32
          %dma_wait3A_208 = tpu.memref_slice %arg4[%add3A_204, %dma_wait3A_207] : memref<204800x128xf32, #tpu.memory_space<hbm>> -> memref<128x128xf32, #tpu.memory_space<hbm>>
          tpu.wait_dma2 semaphore(%arg20 : memref<!tpu.dma_semaphore, #tpu.memory_space<semaphore_mem>>) src(%arg10 : memref<128x128xf32, #tpu.memory_space<vmem>>) dst(%dma_wait3A_208 : memref<128x128xf32, #tpu.memory_space<hbm>>)
        } else {
        }
        %add3A_191 = arith.constant 4 : i32
        %add3A_192 = arith.addi %add3A_70, %add3A_191 : i32
        %dma_start3A_193 = arith.constant 0 : i32
        %dma_start3A_194 = tpu.memref_slice %arg5[%add3A_192, %dma_start3A_193] : memref<50x128xi32, #tpu.memory_space<vmem>> -> memref<1x128xi32, #tpu.memory_space<vmem>>
        %dma_start3A_195 = tpu.memref_squeeze %dma_start3A_194 : memref<1x128xi32, #tpu.memory_space<vmem>> -> memref<128xi32, #tpu.memory_space<vmem>>
        %dma_start3A_196 = arith.constant 0 : i32
        %dma_start3A_197 = arith.constant 0 : i32
        %dma_start3A_198 = tpu.memref_slice %arg3[%dma_start3A_196, %dma_start3A_197] : memref<100000x128xf32, #tpu.memory_space<hbm>> -> memref<100000x128xf32, #tpu.memory_space<hbm>>
        tpu.enqueue_indirect_dma source(%dma_start3A_198 : memref<100000x128xf32, #tpu.memory_space<hbm>>) target(%arg10 : memref<128x128xf32, #tpu.memory_space<vmem>>) offsets(%dma_start3A_195 : memref<128xi32, #tpu.memory_space<vmem>>) semaphore(%arg15 : memref<!tpu.dma_semaphore, #tpu.memory_space<semaphore_mem>>)
      } else {
      }
      %dma_wait3A_75 = arith.constant 0 : i32
      %dma_wait3A_76 = tpu.memref_slice %arg5[%add3A_70, %dma_wait3A_75] : memref<50x128xi32, #tpu.memory_space<vmem>> -> memref<1x128xi32, #tpu.memory_space<vmem>>
      %dma_wait3A_77 = tpu.memref_squeeze %dma_wait3A_76 : memref<1x128xi32, #tpu.memory_space<vmem>> -> memref<128xi32, #tpu.memory_space<vmem>>
      %dma_wait3A_78 = arith.constant 0 : i32
      %dma_wait3A_79 = arith.constant 0 : i32
      %dma_wait3A_80 = tpu.memref_slice %arg3[%dma_wait3A_78, %dma_wait3A_79] : memref<100000x128xf32, #tpu.memory_space<hbm>> -> memref<100000x128xf32, #tpu.memory_space<hbm>>
      tpu.wait_indirect_dma semaphore(%arg11 : memref<!tpu.dma_semaphore, #tpu.memory_space<semaphore_mem>>) src(%dma_wait3A_80 : memref<100000x128xf32, #tpu.memory_space<hbm>>) dst(%arg6 : memref<128x128xf32, #tpu.memory_space<vmem>>)
      %mul3A_81 = arith.constant 4096 : i32
      %mul3A_82 = arith.muli %add3A_70, %mul3A_81 : i32
      %add3A_83 = arith.addi %mul3A_82, %mul3A_2 : i32
      %dma_start3A_84 = arith.constant 0 : i32
      %dma_start3A_85 = tpu.memref_slice %arg4[%add3A_83, %dma_start3A_84] : memref<204800x128xf32, #tpu.memory_space<hbm>> -> memref<128x128xf32, #tpu.memory_space<hbm>>
      %dma_start3A_86 = arith.constant 0 : i32
      %dma_start3A_87 = tpu.memref_slice %arg4[%add3A_83, %dma_start3A_86] : memref<204800x128xf32, #tpu.memory_space<hbm>> -> memref<128x128xf32, #tpu.memory_space<hbm>>
      tpu.enqueue_dma source(%arg6 : memref<128x128xf32, #tpu.memory_space<vmem>>) target(%dma_start3A_87 : memref<128x128xf32, #tpu.memory_space<hbm>>) target_semaphore(%arg16 : memref<!tpu.dma_semaphore, #tpu.memory_space<semaphore_mem>>)
      %mul3A_88 = arith.constant 5 : i32
      %mul3A_89 = arith.muli %scan3A_65, %mul3A_88 : i32
      %add3A_90 = arith.constant 1 : i32
      %add3A_91 = arith.addi %mul3A_89, %add3A_90 : i32
      %add3A_92 = arith.constant 4 : i32
      %add3A_93 = arith.addi %add3A_91, %add3A_92 : i32
      %lt3A_94 = arith.constant 50 : i32
      %lt3A_95 = arith.cmpi slt, %add3A_93, %lt3A_94 : i32
      %convert_element_type3A_96 = arith.extui %lt3A_95 : i1 to i32
      %cond3A_97 = arith.constant 0 : i32
      %cond3A_98 = arith.cmpi ne, %convert_element_type3A_96, %cond3A_97 : i32
      scf.if %cond3A_98 {
        %add3A_185 = arith.constant 4 : i32
        %add3A_186 = arith.addi %add3A_91, %add3A_185 : i32
        %ge3A = arith.constant 5 : i32
        %ge3A_187 = arith.cmpi sge, %add3A_186, %ge3A : i32
        %convert_element_type3A_188 = arith.extui %ge3A_187 : i1 to i32
        %cond3A_189 = arith.constant 0 : i32
        %cond3A_190 = arith.cmpi ne, %convert_element_type3A_188, %cond3A_189 : i32
        scf.if %cond3A_190 {
          %add3A_199 = arith.constant 4 : i32
          %add3A_200 = arith.addi %add3A_91, %add3A_199 : i32
          %sub3A = arith.constant 5 : i32
          %sub3A_201 = arith.subi %add3A_200, %sub3A : i32
          %mul3A_202 = arith.constant 4096 : i32
          %mul3A_203 = arith.muli %sub3A_201, %mul3A_202 : i32
          %add3A_204 = arith.addi %mul3A_203, %mul3A_2 : i32
          %dma_wait3A_205 = arith.constant 0 : i32
          %dma_wait3A_206 = tpu.memref_slice %arg4[%add3A_204, %dma_wait3A_205] : memref<204800x128xf32, #tpu.memory_space<hbm>> -> memref<128x128xf32, #tpu.memory_space<hbm>>
          %dma_wait3A_207 = arith.constant 0 : i32
          %dma_wait3A_208 = tpu.memref_slice %arg4[%add3A_204, %dma_wait3A_207] : memref<204800x128xf32, #tpu.memory_space<hbm>> -> memref<128x128xf32, #tpu.memory_space<hbm>>
          tpu.wait_dma2 semaphore(%arg16 : memref<!tpu.dma_semaphore, #tpu.memory_space<semaphore_mem>>) src(%arg6 : memref<128x128xf32, #tpu.memory_space<vmem>>) dst(%dma_wait3A_208 : memref<128x128xf32, #tpu.memory_space<hbm>>)
        } else {
        }
        %add3A_191 = arith.constant 4 : i32
        %add3A_192 = arith.addi %add3A_91, %add3A_191 : i32
        %dma_start3A_193 = arith.constant 0 : i32
        %dma_start3A_194 = tpu.memref_slice %arg5[%add3A_192, %dma_start3A_193] : memref<50x128xi32, #tpu.memory_space<vmem>> -> memref<1x128xi32, #tpu.memory_space<vmem>>
        %dma_start3A_195 = tpu.memref_squeeze %dma_start3A_194 : memref<1x128xi32, #tpu.memory_space<vmem>> -> memref<128xi32, #tpu.memory_space<vmem>>
        %dma_start3A_196 = arith.constant 0 : i32
        %dma_start3A_197 = arith.constant 0 : i32
        %dma_start3A_198 = tpu.memref_slice %arg3[%dma_start3A_196, %dma_start3A_197] : memref<100000x128xf32, #tpu.memory_space<hbm>> -> memref<100000x128xf32, #tpu.memory_space<hbm>>
        tpu.enqueue_indirect_dma source(%dma_start3A_198 : memref<100000x128xf32, #tpu.memory_space<hbm>>) target(%arg6 : memref<128x128xf32, #tpu.memory_space<vmem>>) offsets(%dma_start3A_195 : memref<128xi32, #tpu.memory_space<vmem>>) semaphore(%arg11 : memref<!tpu.dma_semaphore, #tpu.memory_space<semaphore_mem>>)
      } else {
      }
      %dma_wait3A_99 = arith.constant 0 : i32
      %dma_wait3A_100 = tpu.memref_slice %arg5[%add3A_91, %dma_wait3A_99] : memref<50x128xi32, #tpu.memory_space<vmem>> -> memref<1x128xi32, #tpu.memory_space<vmem>>
      %dma_wait3A_101 = tpu.memref_squeeze %dma_wait3A_100 : memref<1x128xi32, #tpu.memory_space<vmem>> -> memref<128xi32, #tpu.memory_space<vmem>>
      %dma_wait3A_102 = arith.constant 0 : i32
      %dma_wait3A_103 = arith.constant 0 : i32
      %dma_wait3A_104 = tpu.memref_slice %arg3[%dma_wait3A_102, %dma_wait3A_103] : memref<100000x128xf32, #tpu.memory_space<hbm>> -> memref<100000x128xf32, #tpu.memory_space<hbm>>
      tpu.wait_indirect_dma semaphore(%arg12 : memref<!tpu.dma_semaphore, #tpu.memory_space<semaphore_mem>>) src(%dma_wait3A_104 : memref<100000x128xf32, #tpu.memory_space<hbm>>) dst(%arg7 : memref<128x128xf32, #tpu.memory_space<vmem>>)
      %mul3A_105 = arith.constant 4096 : i32
      %mul3A_106 = arith.muli %add3A_91, %mul3A_105 : i32
      %add3A_107 = arith.addi %mul3A_106, %mul3A_2 : i32
      %dma_start3A_108 = arith.constant 0 : i32
      %dma_start3A_109 = tpu.memref_slice %arg4[%add3A_107, %dma_start3A_108] : memref<204800x128xf32, #tpu.memory_space<hbm>> -> memref<128x128xf32, #tpu.memory_space<hbm>>
      %dma_start3A_110 = arith.constant 0 : i32
      %dma_start3A_111 = tpu.memref_slice %arg4[%add3A_107, %dma_start3A_110] : memref<204800x128xf32, #tpu.memory_space<hbm>> -> memref<128x128xf32, #tpu.memory_space<hbm>>
      tpu.enqueue_dma source(%arg7 : memref<128x128xf32, #tpu.memory_space<vmem>>) target(%dma_start3A_111 : memref<128x128xf32, #tpu.memory_space<hbm>>) target_semaphore(%arg17 : memref<!tpu.dma_semaphore, #tpu.memory_space<semaphore_mem>>)
      %mul3A_112 = arith.constant 5 : i32
      %mul3A_113 = arith.muli %scan3A_65, %mul3A_112 : i32
      %add3A_114 = arith.constant 2 : i32
      %add3A_115 = arith.addi %mul3A_113, %add3A_114 : i32
      %add3A_116 = arith.constant 4 : i32
      %add3A_117 = arith.addi %add3A_115, %add3A_116 : i32
      %lt3A_118 = arith.constant 50 : i32
      %lt3A_119 = arith.cmpi slt, %add3A_117, %lt3A_118 : i32
      %convert_element_type3A_120 = arith.extui %lt3A_119 : i1 to i32
      %cond3A_121 = arith.constant 0 : i32
      %cond3A_122 = arith.cmpi ne, %convert_element_type3A_120, %cond3A_121 : i32
      scf.if %cond3A_122 {
        %add3A_185 = arith.constant 4 : i32
        %add3A_186 = arith.addi %add3A_115, %add3A_185 : i32
        %ge3A = arith.constant 5 : i32
        %ge3A_187 = arith.cmpi sge, %add3A_186, %ge3A : i32
        %convert_element_type3A_188 = arith.extui %ge3A_187 : i1 to i32
        %cond3A_189 = arith.constant 0 : i32
        %cond3A_190 = arith.cmpi ne, %convert_element_type3A_188, %cond3A_189 : i32
        scf.if %cond3A_190 {
          %add3A_199 = arith.constant 4 : i32
          %add3A_200 = arith.addi %add3A_115, %add3A_199 : i32
          %sub3A = arith.constant 5 : i32
          %sub3A_201 = arith.subi %add3A_200, %sub3A : i32
          %mul3A_202 = arith.constant 4096 : i32
          %mul3A_203 = arith.muli %sub3A_201, %mul3A_202 : i32
          %add3A_204 = arith.addi %mul3A_203, %mul3A_2 : i32
          %dma_wait3A_205 = arith.constant 0 : i32
          %dma_wait3A_206 = tpu.memref_slice %arg4[%add3A_204, %dma_wait3A_205] : memref<204800x128xf32, #tpu.memory_space<hbm>> -> memref<128x128xf32, #tpu.memory_space<hbm>>
          %dma_wait3A_207 = arith.constant 0 : i32
          %dma_wait3A_208 = tpu.memref_slice %arg4[%add3A_204, %dma_wait3A_207] : memref<204800x128xf32, #tpu.memory_space<hbm>> -> memref<128x128xf32, #tpu.memory_space<hbm>>
          tpu.wait_dma2 semaphore(%arg17 : memref<!tpu.dma_semaphore, #tpu.memory_space<semaphore_mem>>) src(%arg7 : memref<128x128xf32, #tpu.memory_space<vmem>>) dst(%dma_wait3A_208 : memref<128x128xf32, #tpu.memory_space<hbm>>)
        } else {
        }
        %add3A_191 = arith.constant 4 : i32
        %add3A_192 = arith.addi %add3A_115, %add3A_191 : i32
        %dma_start3A_193 = arith.constant 0 : i32
        %dma_start3A_194 = tpu.memref_slice %arg5[%add3A_192, %dma_start3A_193] : memref<50x128xi32, #tpu.memory_space<vmem>> -> memref<1x128xi32, #tpu.memory_space<vmem>>
        %dma_start3A_195 = tpu.memref_squeeze %dma_start3A_194 : memref<1x128xi32, #tpu.memory_space<vmem>> -> memref<128xi32, #tpu.memory_space<vmem>>
        %dma_start3A_196 = arith.constant 0 : i32
        %dma_start3A_197 = arith.constant 0 : i32
        %dma_start3A_198 = tpu.memref_slice %arg3[%dma_start3A_196, %dma_start3A_197] : memref<100000x128xf32, #tpu.memory_space<hbm>> -> memref<100000x128xf32, #tpu.memory_space<hbm>>
        tpu.enqueue_indirect_dma source(%dma_start3A_198 : memref<100000x128xf32, #tpu.memory_space<hbm>>) target(%arg7 : memref<128x128xf32, #tpu.memory_space<vmem>>) offsets(%dma_start3A_195 : memref<128xi32, #tpu.memory_space<vmem>>) semaphore(%arg12 : memref<!tpu.dma_semaphore, #tpu.memory_space<semaphore_mem>>)
      } else {
      }
      %dma_wait3A_123 = arith.constant 0 : i32
      %dma_wait3A_124 = tpu.memref_slice %arg5[%add3A_115, %dma_wait3A_123] : memref<50x128xi32, #tpu.memory_space<vmem>> -> memref<1x128xi32, #tpu.memory_space<vmem>>
      %dma_wait3A_125 = tpu.memref_squeeze %dma_wait3A_124 : memref<1x128xi32, #tpu.memory_space<vmem>> -> memref<128xi32, #tpu.memory_space<vmem>>
      %dma_wait3A_126 = arith.constant 0 : i32
      %dma_wait3A_127 = arith.constant 0 : i32
      %dma_wait3A_128 = tpu.memref_slice %arg3[%dma_wait3A_126, %dma_wait3A_127] : memref<100000x128xf32, #tpu.memory_space<hbm>> -> memref<100000x128xf32, #tpu.memory_space<hbm>>
      tpu.wait_indirect_dma semaphore(%arg13 : memref<!tpu.dma_semaphore, #tpu.memory_space<semaphore_mem>>) src(%dma_wait3A_128 : memref<100000x128xf32, #tpu.memory_space<hbm>>) dst(%arg8 : memref<128x128xf32, #tpu.memory_space<vmem>>)
      %mul3A_129 = arith.constant 4096 : i32
      %mul3A_130 = arith.muli %add3A_115, %mul3A_129 : i32
      %add3A_131 = arith.addi %mul3A_130, %mul3A_2 : i32
      %dma_start3A_132 = arith.constant 0 : i32
      %dma_start3A_133 = tpu.memref_slice %arg4[%add3A_131, %dma_start3A_132] : memref<204800x128xf32, #tpu.memory_space<hbm>> -> memref<128x128xf32, #tpu.memory_space<hbm>>
      %dma_start3A_134 = arith.constant 0 : i32
      %dma_start3A_135 = tpu.memref_slice %arg4[%add3A_131, %dma_start3A_134] : memref<204800x128xf32, #tpu.memory_space<hbm>> -> memref<128x128xf32, #tpu.memory_space<hbm>>
      tpu.enqueue_dma source(%arg8 : memref<128x128xf32, #tpu.memory_space<vmem>>) target(%dma_start3A_135 : memref<128x128xf32, #tpu.memory_space<hbm>>) target_semaphore(%arg18 : memref<!tpu.dma_semaphore, #tpu.memory_space<semaphore_mem>>)
      %mul3A_136 = arith.constant 5 : i32
      %mul3A_137 = arith.muli %scan3A_65, %mul3A_136 : i32
      %add3A_138 = arith.constant 3 : i32
      %add3A_139 = arith.addi %mul3A_137, %add3A_138 : i32
      %add3A_140 = arith.constant 4 : i32
      %add3A_141 = arith.addi %add3A_139, %add3A_140 : i32
      %lt3A_142 = arith.constant 50 : i32
      %lt3A_143 = arith.cmpi slt, %add3A_141, %lt3A_142 : i32
      %convert_element_type3A_144 = arith.extui %lt3A_143 : i1 to i32
      %cond3A_145 = arith.constant 0 : i32
      %cond3A_146 = arith.cmpi ne, %convert_element_type3A_144, %cond3A_145 : i32
      scf.if %cond3A_146 {
        %add3A_185 = arith.constant 4 : i32
        %add3A_186 = arith.addi %add3A_139, %add3A_185 : i32
        %ge3A = arith.constant 5 : i32
        %ge3A_187 = arith.cmpi sge, %add3A_186, %ge3A : i32
        %convert_element_type3A_188 = arith.extui %ge3A_187 : i1 to i32
        %cond3A_189 = arith.constant 0 : i32
        %cond3A_190 = arith.cmpi ne, %convert_element_type3A_188, %cond3A_189 : i32
        scf.if %cond3A_190 {
          %add3A_199 = arith.constant 4 : i32
          %add3A_200 = arith.addi %add3A_139, %add3A_199 : i32
          %sub3A = arith.constant 5 : i32
          %sub3A_201 = arith.subi %add3A_200, %sub3A : i32
          %mul3A_202 = arith.constant 4096 : i32
          %mul3A_203 = arith.muli %sub3A_201, %mul3A_202 : i32
          %add3A_204 = arith.addi %mul3A_203, %mul3A_2 : i32
          %dma_wait3A_205 = arith.constant 0 : i32
          %dma_wait3A_206 = tpu.memref_slice %arg4[%add3A_204, %dma_wait3A_205] : memref<204800x128xf32, #tpu.memory_space<hbm>> -> memref<128x128xf32, #tpu.memory_space<hbm>>
          %dma_wait3A_207 = arith.constant 0 : i32
          %dma_wait3A_208 = tpu.memref_slice %arg4[%add3A_204, %dma_wait3A_207] : memref<204800x128xf32, #tpu.memory_space<hbm>> -> memref<128x128xf32, #tpu.memory_space<hbm>>
          tpu.wait_dma2 semaphore(%arg18 : memref<!tpu.dma_semaphore, #tpu.memory_space<semaphore_mem>>) src(%arg8 : memref<128x128xf32, #tpu.memory_space<vmem>>) dst(%dma_wait3A_208 : memref<128x128xf32, #tpu.memory_space<hbm>>)
        } else {
        }
        %add3A_191 = arith.constant 4 : i32
        %add3A_192 = arith.addi %add3A_139, %add3A_191 : i32
        %dma_start3A_193 = arith.constant 0 : i32
        %dma_start3A_194 = tpu.memref_slice %arg5[%add3A_192, %dma_start3A_193] : memref<50x128xi32, #tpu.memory_space<vmem>> -> memref<1x128xi32, #tpu.memory_space<vmem>>
        %dma_start3A_195 = tpu.memref_squeeze %dma_start3A_194 : memref<1x128xi32, #tpu.memory_space<vmem>> -> memref<128xi32, #tpu.memory_space<vmem>>
        %dma_start3A_196 = arith.constant 0 : i32
        %dma_start3A_197 = arith.constant 0 : i32
        %dma_start3A_198 = tpu.memref_slice %arg3[%dma_start3A_196, %dma_start3A_197] : memref<100000x128xf32, #tpu.memory_space<hbm>> -> memref<100000x128xf32, #tpu.memory_space<hbm>>
        tpu.enqueue_indirect_dma source(%dma_start3A_198 : memref<100000x128xf32, #tpu.memory_space<hbm>>) target(%arg8 : memref<128x128xf32, #tpu.memory_space<vmem>>) offsets(%dma_start3A_195 : memref<128xi32, #tpu.memory_space<vmem>>) semaphore(%arg13 : memref<!tpu.dma_semaphore, #tpu.memory_space<semaphore_mem>>)
      } else {
      }
      %dma_wait3A_147 = arith.constant 0 : i32
      %dma_wait3A_148 = tpu.memref_slice %arg5[%add3A_139, %dma_wait3A_147] : memref<50x128xi32, #tpu.memory_space<vmem>> -> memref<1x128xi32, #tpu.memory_space<vmem>>
      %dma_wait3A_149 = tpu.memref_squeeze %dma_wait3A_148 : memref<1x128xi32, #tpu.memory_space<vmem>> -> memref<128xi32, #tpu.memory_space<vmem>>
      %dma_wait3A_150 = arith.constant 0 : i32
      %dma_wait3A_151 = arith.constant 0 : i32
      %dma_wait3A_152 = tpu.memref_slice %arg3[%dma_wait3A_150, %dma_wait3A_151] : memref<100000x128xf32, #tpu.memory_space<hbm>> -> memref<100000x128xf32, #tpu.memory_space<hbm>>
      tpu.wait_indirect_dma semaphore(%arg14 : memref<!tpu.dma_semaphore, #tpu.memory_space<semaphore_mem>>) src(%dma_wait3A_152 : memref<100000x128xf32, #tpu.memory_space<hbm>>) dst(%arg9 : memref<128x128xf32, #tpu.memory_space<vmem>>)
      %mul3A_153 = arith.constant 4096 : i32
      %mul3A_154 = arith.muli %add3A_139, %mul3A_153 : i32
      %add3A_155 = arith.addi %mul3A_154, %mul3A_2 : i32
      %dma_start3A_156 = arith.constant 0 : i32
      %dma_start3A_157 = tpu.memref_slice %arg4[%add3A_155, %dma_start3A_156] : memref<204800x128xf32, #tpu.memory_space<hbm>> -> memref<128x128xf32, #tpu.memory_space<hbm>>
      %dma_start3A_158 = arith.constant 0 : i32
      %dma_start3A_159 = tpu.memref_slice %arg4[%add3A_155, %dma_start3A_158] : memref<204800x128xf32, #tpu.memory_space<hbm>> -> memref<128x128xf32, #tpu.memory_space<hbm>>
      tpu.enqueue_dma source(%arg9 : memref<128x128xf32, #tpu.memory_space<vmem>>) target(%dma_start3A_159 : memref<128x128xf32, #tpu.memory_space<hbm>>) target_semaphore(%arg19 : memref<!tpu.dma_semaphore, #tpu.memory_space<semaphore_mem>>)
      %mul3A_160 = arith.constant 5 : i32
      %mul3A_161 = arith.muli %scan3A_65, %mul3A_160 : i32
      %add3A_162 = arith.constant 4 : i32
      %add3A_163 = arith.addi %mul3A_161, %add3A_162 : i32
      %add3A_164 = arith.constant 4 : i32
      %add3A_165 = arith.addi %add3A_163, %add3A_164 : i32
      %lt3A_166 = arith.constant 50 : i32
      %lt3A_167 = arith.cmpi slt, %add3A_165, %lt3A_166 : i32
      %convert_element_type3A_168 = arith.extui %lt3A_167 : i1 to i32
      %cond3A_169 = arith.constant 0 : i32
      %cond3A_170 = arith.cmpi ne, %convert_element_type3A_168, %cond3A_169 : i32
      scf.if %cond3A_170 {
        %add3A_185 = arith.constant 4 : i32
        %add3A_186 = arith.addi %add3A_163, %add3A_185 : i32
        %ge3A = arith.constant 5 : i32
        %ge3A_187 = arith.cmpi sge, %add3A_186, %ge3A : i32
        %convert_element_type3A_188 = arith.extui %ge3A_187 : i1 to i32
        %cond3A_189 = arith.constant 0 : i32
        %cond3A_190 = arith.cmpi ne, %convert_element_type3A_188, %cond3A_189 : i32
        scf.if %cond3A_190 {
          %add3A_199 = arith.constant 4 : i32
          %add3A_200 = arith.addi %add3A_163, %add3A_199 : i32
          %sub3A = arith.constant 5 : i32
          %sub3A_201 = arith.subi %add3A_200, %sub3A : i32
          %mul3A_202 = arith.constant 4096 : i32
          %mul3A_203 = arith.muli %sub3A_201, %mul3A_202 : i32
          %add3A_204 = arith.addi %mul3A_203, %mul3A_2 : i32
          %dma_wait3A_205 = arith.constant 0 : i32
          %dma_wait3A_206 = tpu.memref_slice %arg4[%add3A_204, %dma_wait3A_205] : memref<204800x128xf32, #tpu.memory_space<hbm>> -> memref<128x128xf32, #tpu.memory_space<hbm>>
          %dma_wait3A_207 = arith.constant 0 : i32
          %dma_wait3A_208 = tpu.memref_slice %arg4[%add3A_204, %dma_wait3A_207] : memref<204800x128xf32, #tpu.memory_space<hbm>> -> memref<128x128xf32, #tpu.memory_space<hbm>>
          tpu.wait_dma2 semaphore(%arg19 : memref<!tpu.dma_semaphore, #tpu.memory_space<semaphore_mem>>) src(%arg9 : memref<128x128xf32, #tpu.memory_space<vmem>>) dst(%dma_wait3A_208 : memref<128x128xf32, #tpu.memory_space<hbm>>)
        } else {
        }
        %add3A_191 = arith.constant 4 : i32
        %add3A_192 = arith.addi %add3A_163, %add3A_191 : i32
        %dma_start3A_193 = arith.constant 0 : i32
        %dma_start3A_194 = tpu.memref_slice %arg5[%add3A_192, %dma_start3A_193] : memref<50x128xi32, #tpu.memory_space<vmem>> -> memref<1x128xi32, #tpu.memory_space<vmem>>
        %dma_start3A_195 = tpu.memref_squeeze %dma_start3A_194 : memref<1x128xi32, #tpu.memory_space<vmem>> -> memref<128xi32, #tpu.memory_space<vmem>>
        %dma_start3A_196 = arith.constant 0 : i32
        %dma_start3A_197 = arith.constant 0 : i32
        %dma_start3A_198 = tpu.memref_slice %arg3[%dma_start3A_196, %dma_start3A_197] : memref<100000x128xf32, #tpu.memory_space<hbm>> -> memref<100000x128xf32, #tpu.memory_space<hbm>>
        tpu.enqueue_indirect_dma source(%dma_start3A_198 : memref<100000x128xf32, #tpu.memory_space<hbm>>) target(%arg9 : memref<128x128xf32, #tpu.memory_space<vmem>>) offsets(%dma_start3A_195 : memref<128xi32, #tpu.memory_space<vmem>>) semaphore(%arg14 : memref<!tpu.dma_semaphore, #tpu.memory_space<semaphore_mem>>)
      } else {
      }
      %dma_wait3A_171 = arith.constant 0 : i32
      %dma_wait3A_172 = tpu.memref_slice %arg5[%add3A_163, %dma_wait3A_171] : memref<50x128xi32, #tpu.memory_space<vmem>> -> memref<1x128xi32, #tpu.memory_space<vmem>>
      %dma_wait3A_173 = tpu.memref_squeeze %dma_wait3A_172 : memref<1x128xi32, #tpu.memory_space<vmem>> -> memref<128xi32, #tpu.memory_space<vmem>>
      %dma_wait3A_174 = arith.constant 0 : i32
      %dma_wait3A_175 = arith.constant 0 : i32
      %dma_wait3A_176 = tpu.memref_slice %arg3[%dma_wait3A_174, %dma_wait3A_175] : memref<100000x128xf32, #tpu.memory_space<hbm>> -> memref<100000x128xf32, #tpu.memory_space<hbm>>
      tpu.wait_indirect_dma semaphore(%arg15 : memref<!tpu.dma_semaphore, #tpu.memory_space<semaphore_mem>>) src(%dma_wait3A_176 : memref<100000x128xf32, #tpu.memory_space<hbm>>) dst(%arg10 : memref<128x128xf32, #tpu.memory_space<vmem>>)
      %mul3A_177 = arith.constant 4096 : i32
      %mul3A_178 = arith.muli %add3A_163, %mul3A_177 : i32
      %add3A_179 = arith.addi %mul3A_178, %mul3A_2 : i32
      %dma_start3A_180 = arith.constant 0 : i32
      %dma_start3A_181 = tpu.memref_slice %arg4[%add3A_179, %dma_start3A_180] : memref<204800x128xf32, #tpu.memory_space<hbm>> -> memref<128x128xf32, #tpu.memory_space<hbm>>
      %dma_start3A_182 = arith.constant 0 : i32
      %dma_start3A_183 = tpu.memref_slice %arg4[%add3A_179, %dma_start3A_182] : memref<204800x128xf32, #tpu.memory_space<hbm>> -> memref<128x128xf32, #tpu.memory_space<hbm>>
      tpu.enqueue_dma source(%arg10 : memref<128x128xf32, #tpu.memory_space<vmem>>) target(%dma_start3A_183 : memref<128x128xf32, #tpu.memory_space<hbm>>) target_semaphore(%arg20 : memref<!tpu.dma_semaphore, #tpu.memory_space<semaphore_mem>>)
      %scan3A_184 = arith.constant 0 : i32
      scf.yield %scan3A_184 : i32
    }
    %scan3A_35 = arith.constant 10 : i32
    %add3A_36 = arith.constant 184320 : i32
    %add3A_37 = arith.addi %add3A_36, %mul3A_2 : i32
    %dma_wait3A = arith.constant 0 : i32
    %dma_wait3A_38 = tpu.memref_slice %arg4[%add3A_37, %dma_wait3A] : memref<204800x128xf32, #tpu.memory_space<hbm>> -> memref<128x128xf32, #tpu.memory_space<hbm>>
    %dma_wait3A_39 = arith.constant 0 : i32
    %dma_wait3A_40 = tpu.memref_slice %arg4[%add3A_37, %dma_wait3A_39] : memref<204800x128xf32, #tpu.memory_space<hbm>> -> memref<128x128xf32, #tpu.memory_space<hbm>>
    tpu.wait_dma2 semaphore(%arg16 : memref<!tpu.dma_semaphore, #tpu.memory_space<semaphore_mem>>) src(%arg6 : memref<128x128xf32, #tpu.memory_space<vmem>>) dst(%dma_wait3A_40 : memref<128x128xf32, #tpu.memory_space<hbm>>)
    %add3A_41 = arith.constant 188416 : i32
    %add3A_42 = arith.addi %add3A_41, %mul3A_2 : i32
    %dma_wait3A_43 = arith.constant 0 : i32
    %dma_wait3A_44 = tpu.memref_slice %arg4[%add3A_42, %dma_wait3A_43] : memref<204800x128xf32, #tpu.memory_space<hbm>> -> memref<128x128xf32, #tpu.memory_space<hbm>>
    %dma_wait3A_45 = arith.constant 0 : i32
    %dma_wait3A_46 = tpu.memref_slice %arg4[%add3A_42, %dma_wait3A_45] : memref<204800x128xf32, #tpu.memory_space<hbm>> -> memref<128x128xf32, #tpu.memory_space<hbm>>
    tpu.wait_dma2 semaphore(%arg17 : memref<!tpu.dma_semaphore, #tpu.memory_space<semaphore_mem>>) src(%arg7 : memref<128x128xf32, #tpu.memory_space<vmem>>) dst(%dma_wait3A_46 : memref<128x128xf32, #tpu.memory_space<hbm>>)
    %add3A_47 = arith.constant 192512 : i32
    %add3A_48 = arith.addi %add3A_47, %mul3A_2 : i32
    %dma_wait3A_49 = arith.constant 0 : i32
    %dma_wait3A_50 = tpu.memref_slice %arg4[%add3A_48, %dma_wait3A_49] : memref<204800x128xf32, #tpu.memory_space<hbm>> -> memref<128x128xf32, #tpu.memory_space<hbm>>
    %dma_wait3A_51 = arith.constant 0 : i32
    %dma_wait3A_52 = tpu.memref_slice %arg4[%add3A_48, %dma_wait3A_51] : memref<204800x128xf32, #tpu.memory_space<hbm>> -> memref<128x128xf32, #tpu.memory_space<hbm>>
    tpu.wait_dma2 semaphore(%arg18 : memref<!tpu.dma_semaphore, #tpu.memory_space<semaphore_mem>>) src(%arg8 : memref<128x128xf32, #tpu.memory_space<vmem>>) dst(%dma_wait3A_52 : memref<128x128xf32, #tpu.memory_space<hbm>>)
    %add3A_53 = arith.constant 196608 : i32
    %add3A_54 = arith.addi %add3A_53, %mul3A_2 : i32
    %dma_wait3A_55 = arith.constant 0 : i32
    %dma_wait3A_56 = tpu.memref_slice %arg4[%add3A_54, %dma_wait3A_55] : memref<204800x128xf32, #tpu.memory_space<hbm>> -> memref<128x128xf32, #tpu.memory_space<hbm>>
    %dma_wait3A_57 = arith.constant 0 : i32
    %dma_wait3A_58 = tpu.memref_slice %arg4[%add3A_54, %dma_wait3A_57] : memref<204800x128xf32, #tpu.memory_space<hbm>> -> memref<128x128xf32, #tpu.memory_space<hbm>>
    tpu.wait_dma2 semaphore(%arg19 : memref<!tpu.dma_semaphore, #tpu.memory_space<semaphore_mem>>) src(%arg9 : memref<128x128xf32, #tpu.memory_space<vmem>>) dst(%dma_wait3A_58 : memref<128x128xf32, #tpu.memory_space<hbm>>)
    %add3A_59 = arith.constant 200704 : i32
    %add3A_60 = arith.addi %add3A_59, %mul3A_2 : i32
    %dma_wait3A_61 = arith.constant 0 : i32
    %dma_wait3A_62 = tpu.memref_slice %arg4[%add3A_60, %dma_wait3A_61] : memref<204800x128xf32, #tpu.memory_space<hbm>> -> memref<128x128xf32, #tpu.memory_space<hbm>>
    %dma_wait3A_63 = arith.constant 0 : i32
    %dma_wait3A_64 = tpu.memref_slice %arg4[%add3A_60, %dma_wait3A_63] : memref<204800x128xf32, #tpu.memory_space<hbm>> -> memref<128x128xf32, #tpu.memory_space<hbm>>
    tpu.wait_dma2 semaphore(%arg20 : memref<!tpu.dma_semaphore, #tpu.memory_space<semaphore_mem>>) src(%arg10 : memref<128x128xf32, #tpu.memory_space<vmem>>) dst(%dma_wait3A_64 : memref<128x128xf32, #tpu.memory_space<hbm>>)
    return
  }
}

</mosaic_0001>

<sc_bundles>
// kernel: kernel.3.cloned.1.call-start
scs
__scs_entry_jumppad:
0x0: {  	(pc) =	sbr.rel $0x88, $3  }
0x1: {  	(tag) =	ssettag $0x0;
	lr =	simm.s32 $0x1  }
0x2: {  	[smem:$0x3F9F] =	sst lr;
	_ =	strace $0xD0000000  }
0x3: {  	_ = 	snop  }
0x4: {  	_ = 	snop  }
0x5: {  	_ = 	snop  }
0x6: {  	_ = 	snop  }
0x7: {  	_ = 	snop  }
__scs_overlays_trampoline_lowered:
0x8: {  	[smem:$0x3FAE] =	sst s0  }
0x9: {  	[smem:$0x3FAF] =	sst s1  }
0xa: {  	[smem:$0x3FB0] =	sst s2  }
0xb: {  	[smem:$0x3FB1] =	sst s3  }
0xc: {  	[smem:$0x3FB2] =	sst s4  }
0xd: {  	[smem:$0x3FB3] =	sst s5  }
0xe: {  	[smem:$0x3FB4] =	sst s6  }
0xf: {  	[smem:$0x3FB5] =	sst s7  }
0x10: {  	[smem:$0x3FB6] =	sst s8  }
0x11: {  	[smem:$0x3FB7] =	sst s9;
	s0 =	simm.s32 @!p0 $0x0  }
0x12: {  	s1 =	sld [smem:$0x3F9D];
	s0 =	simm.s32 @p0 $0x1  }
0x13: {  	[smem:$0x3FB8] =	sst s0;
	s0 =	simm.s32 @!p1 $0x0  }
0x14: {  	s2 =	sld [smem:$0x3F9C];
	s0 =	simm.s32 @p1 $0x1  }
0x15: {  	[smem:$0x3FB9] =	sst s0;
	s0 =	simm.s32 @!p2 $0x0  }
0x16: {  	s3 =	sld [smem:$0x3FDB];
	s0 =	simm.s32 @p2 $0x1  }
0x17: {  	s4 =	simm.s32 $0x1BF5;
	[smem:$0x3FBB] =	sst s0  }
0x18: {  	s0 =	sld [smem:$0x3F9E];
	_ =	swait.ge [sflag:s4], $0x0  }
0x19: {  	s7 =	sld [smem:$0x3F9F]  }
0x1a: {  	s8 =	sadd.s32 $0xFFFFE003, lr  }
0x1b: {  	s9 =	sadd.s32 $0xFFFFFEF7, lr;
	s5 =	simm.s32 $0xFFFFFFFF;
	p2 =	slt.u32 s8, $0xFFFFF086  }
0x1c: {  	p1 =	slt.u32 s9, $0xF7A;
	s5 =	simm.s32 @!p2 $0x0  }
0x1d: {  	s5 =	simm.s32 @p1 $0x1;
	p0 =	seq.s32 s7, s2  }
0x1e: {  	s7 =	smul.u32 @!p0 $0xF7A, s2;
	p2 =	seq.s32 @!p0 s5, $0x0  }
0x1f: {  	s9 =	smul.u32 $0xF7A, s1;
	s8 =	simm.s32 @!p0 $0x1BF5;
	p2 =	por !p2, p0  }
0x20: {  	[sflag:s8] =	ssyncset.s32 @!p0 $0xFFFFF086;
	s6 =	sadd.s32 @!p0 s3, s7;
	s7 =	simm.s32 @!p0 $0x108  }
0x21: {  	s3 =	sadd.s32 s3, s9;
	s6 =	sadd.s32 @!p0 $0x88, s6;
	s7 =	simm.s32 @p2 $0x1082  }
0x22: {  	[simem:s7], [sflag:s8] =	dma.local @!p0 [hbm:s6], $0xF7A  }
0x23: {  	s9 =	sor.u32 $0xD0000000, s2;
	s6 =	simm.s32 $0x108;
	_ =	swait.ge @!p0 [sflag:s8], $0x0  }
0x24: {  	s3 =	sadd.s32 $0x88, s3;
	s6 =	simm.s32 @!p1 $0x1082;
	[sflag:s4] =	ssyncset.s32 $0xFFFFF086  }
0x25: {  	[simem:s6], [sflag:s4] =	dma.local [hbm:s3], $0xF7A  }
0x26: {  	[smem:$0x3F9F] =	sst s1;
	(tag) =	ssettag s2;
	_ =	strace s9  }
0x27: {  	s1 =	sld [smem:$0x3FAF]  }
0x28: {  	s2 =	sld [smem:$0x3FB0]  }
0x29: {  	s4 =	sld [smem:$0x3FB2]  }
0x2a: {  	p0 =	seq.s32 s5, $0x0;
	s5 =	sld [smem:$0x3FB3]  }
0x2b: {  	s6 =	sld [smem:$0x3FB4]  }
0x2c: {  	s7 =	sld [smem:$0x3FB5]  }
0x2d: {  	s3 =	simm.s32 $0x108;
	s8 =	sld [smem:$0x3FB6]  }
0x2e: {  	s3 =	simm.s32 @!p0 $0x1082;
	s9 =	sld [smem:$0x3FB7]  }
0x2f: {  	lr =	sadd.s32 s0, s3;
	s0 =	sld [smem:$0x3FAE]  }
0x30: {  	s3 =	sld [smem:$0x3FB1]  }
0x31: {  	[smem:$0x3FBA] =	sst s10  }
0x32: {  	s10 =	sld [smem:$0x3FB8];
	_ =	sdelay $0x3  }
0x33: {  	p0 =	seq.s32 s10, $0x1;
	s10 =	sld [smem:$0x3FBA];
	_ =	sdelay $0x3  }
0x34: {  	[smem:$0x3FBA] =	sst s10  }
0x35: {  	s10 =	sld [smem:$0x3FB9];
	_ =	sdelay $0x3  }
0x36: {  	p1 =	seq.s32 s10, $0x1;
	s10 =	sld [smem:$0x3FBA];
	_ =	sdelay $0x3  }
0x37: {  	[smem:$0x3FBA] =	sst s10  }
0x38: {  	s10 =	sld [smem:$0x3FBB]  }
0x39: {  	_ = 	snop;
	(pc) =	sbr.ind lr, $3  }
0x3a: {  	_ = 	snop  }
0x3b: {  	_ = 	snop  }
0x3c: {  	p2 =	seq.s32 s10, $0x1;
	s10 =	sld [smem:$0x3FBA]  }
0x3d: {  	_ =	shalt  }
0x3e: {  	_ =	shalt  }
0x3f: {  	_ =	shalt  }
0x40: {  	_ =	shalt  }
0x41: {  	_ =	shalt  }
0x42: {  	_ =	shalt  }
0x43: {  	_ =	shalt  }
0x44: {  	_ =	shalt  }
0x45: {  	_ =	shalt  }
0x46: {  	_ =	shalt  }
0x47: {  	_ =	shalt  }
0x48: {  	_ =	shalt  }
0x49: {  	_ =	shalt  }
0x4a: {  	_ =	shalt  }
0x4b: {  	_ =	shalt  }
0x4c: {  	_ =	shalt  }
0x4d: {  	_ =	shalt  }
0x4e: {  	_ =	shalt  }
0x4f: {  	_ =	shalt  }
0x50: {  	_ =	shalt  }
0x51: {  	_ =	shalt  }
0x52: {  	_ =	shalt  }
0x53: {  	_ =	shalt  }
0x54: {  	_ =	shalt  }
0x55: {  	_ =	shalt  }
0x56: {  	_ =	shalt  }
0x57: {  	_ =	shalt  }
0x58: {  	_ =	shalt  }
0x59: {  	_ =	shalt  }
0x5a: {  	_ =	shalt  }
0x5b: {  	_ =	shalt  }
0x5c: {  	_ =	shalt  }
0x5d: {  	_ =	shalt  }
0x5e: {  	_ =	shalt  }
0x5f: {  	_ =	shalt  }
0x60: {  	_ =	shalt  }
0x61: {  	_ =	shalt  }
0x62: {  	_ =	shalt  }
0x63: {  	_ =	shalt  }
0x64: {  	_ =	shalt  }
0x65: {  	_ =	shalt  }
0x66: {  	_ =	shalt  }
0x67: {  	_ =	shalt  }
0x68: {  	_ =	shalt  }
0x69: {  	_ =	shalt  }
0x6a: {  	_ =	shalt  }
0x6b: {  	_ =	shalt  }
0x6c: {  	_ =	shalt  }
0x6d: {  	_ =	shalt  }
0x6e: {  	_ =	shalt  }
0x6f: {  	_ =	shalt  }
0x70: {  	_ =	shalt  }
0x71: {  	_ =	shalt  }
0x72: {  	_ =	shalt  }
0x73: {  	_ =	shalt  }
0x74: {  	_ =	shalt  }
0x75: {  	_ =	shalt  }
0x76: {  	_ =	shalt  }
0x77: {  	_ =	shalt  }
0x78: {  	_ =	shalt  }
0x79: {  	_ =	shalt  }
0x7a: {  	_ =	shalt  }
0x7b: {  	_ =	shalt  }
0x7c: {  	_ =	shalt  }
0x7d: {  	_ =	shalt  }
0x7e: {  	_ =	shalt  }
0x7f: {  	_ =	shalt  }
0x80: {  	_ =	shalt  }
0x81: {  	_ =	shalt  }
0x82: {  	_ =	shalt  }
0x83: {  	_ =	shalt  }
0x84: {  	_ =	shalt  }
0x85: {  	_ =	shalt  }
0x86: {  	_ =	shalt  }
0x87: {  	_ =	shalt  }
.Lfunc_end0:
.L_simem_size_0:
called_computation_lowered:
.L_overlay_start_0:
0x88: {  	s2 =	sld [smem:$0x3FD9]  }
0x89: {  	s3 =	sld [smem:$0x3FFE];
	_ =	sdelay $0x1  }
0x8a: {  	s1 =	srdreg.scid  }
0x8b: {  	s0 =	sand.u32 $0x1, s1  }
0x8c: {  	s18 =	sshll.u32 s0, $0xA;
	s2 =	sadd.s32 s3, s2  }
0x8d: {  	s2 =	sadd.s32 s2, s18  }
0x8e: {  	[smem:$0x3FC6] =	sst s2  }
0x8f: {  	_ = 	snop  }
0x90: {  	s2 =	sld [smem:$0x3FC9]  }
0x91: {  	s19 =	sld [smem:$0x3FC8]  }
0x92: {  	s4 =	sld [smem:$0x3FD0];
	(tm) =	ssettm $0x1  }
0x93: {  	s5 =	sld [smem:$0x3FFB];
	_ =	sdelay $0x3  }
0x94: {  	_ =	strace s5  }
0x95: {  	s5 =	sld [smem:$0x3FFC];
	_ =	sdelay $0x3  }
0x96: {  	_ =	strace s5  }
0x97: {  	s5 =	sld [smem:$0x3FFD];
	_ =	sdelay $0x3  }
0x98: {  	_ =	strace s5  }
0x99: {  	_ =	strace $0x8FFFFFFF  }
0x9a: {  	s20 =	sld [smem:$0x3FDB];
	_ =	sdelay $0x1  }
0x9b: {  	s6 =	simm.s32 $_scs_section_size  }
0x9c: {  	s7 =	simm.s32 $_size__tile_overlayer_lowered;
	s8 =	simm.s32 $_tile_overlayer_lowered  }
0x9d: {  	s23 =	simm.s32 $0x1BFF;
	s22 =	sshll.u32 s8, $0x1;
	s5 =	sadd.s32 s6, s20  }
0x9e: {  	s9 =	simm.s32 $0x0;
	s21 =	sshll.u32 s7, $0x1;
	s7 =	sadd.s32 s22, s5  }
0x9f: {  	[timem:s9], [sflag:s23] =	dma.local [hbm:s7], s21  }
0xa0: {  	_ =	swait.ge [sflag:s23], s21  }
0xa1: {  	s6 =	ssub.s32 $0x0, s21;
	[sflag:s23] =	ssyncset.done $0x0  }
0xa2: {  	[sflag:s23] =	ssyncadd.s32 s6;
	_ =	sdelay $0x1  }
0xa3: {  	s24 =	simm.s32 $0x1B8B  }
0xa4: {  	_ =	swait.ge [sflag:s24], $0x1  }
0xa5: {  	[sflag:s24] =	ssyncset.done $0x0  }
0xa6: {  	s25 =	simm.s32 $0x1B8E;
	[sflag:s24] =	ssyncadd.s32 $0xFFFFFFFF  }
0xa7: {  	s26 =	simm.s32 $execute0_lowered;
	[smem:$0x3FD2] =	sst s25  }
0xa8: {  	s6 =	sshll.u32 s26, $0x1;
	_ =	strace $0x80000046;
	[dreg:$0x1] =	wrdreg $0xFFFFFFFF  }
0xa9: {  	s28 =	simm.s32 $_size_execute0_lowered;
	s5 =	sadd.s32 s5, s6;
	[dreg:$0x0] =	wrdreg $0x0  }
0xaa: {  	s6 =	sshll.u32 s28, $0x1;
	[dreg:$0x2] =	wrdreg s5  }
0xab: {  	[dreg:$0x3] =	wrdreg s6  }
0xac: {  	[dreg:$0x4] =	wrdreg $0xC0  }
0xad: {  	_ =	task [dreg:s9], $0x5FFFF  }
0xae: {  	[dreg:$0x1] =	wrdreg $0xFFFFFFFF  }
0xaf: {  	[dreg:$0x0] =	wrdreg $0x60  }
0xb0: {  	[dreg:$0x2] =	wrdreg s2  }
0xb1: {  	[dreg:$0x3] =	wrdreg s19  }
0xb2: {  	[dreg:$0x4] =	wrdreg s4  }
0xb3: {  	[dreg:$0x5] =	wrdreg $0x9  }
0xb4: {  	_ =	task.clear_ibuf [dreg:s9], $0x6FFFF;
	_ =	strace $0x90000046  }
0xb5: {  	s29 =	simm.s32 $0x9;
	_ =	strace $0x80000048  }
0xb6: {  	_ =	swait.ge [sflag:s29], $0x1  }
0xb7: {  	[sflag:s29] =	ssyncadd.s32 $0xFFFFFFFF  }
0xb8: {  	_ =	strace $0x90000048  }
0xb9: {  	_ =	sfence  }
0xba: {  	s30 =	sld [smem:$0x0];
	_ =	sdelay $0x2  }
0xbb: {  	s31 =	sshll.u32 s1, $0xD;
	s1 =	sshrl.u32 s1, $0x2  }
0xbc: {  	s3 =	sand.u32 $0x4000, s31;
	s1 =	sadd.s32 s1, s30  }
0xbd: {  	s0 =	sor.u32 s3, s0;
	s1 =	sshll.u32 s1, $0x11  }
0xbe: {  	s0 =	sor.u32 s1, s0  }
0xbf: {  	s0 =	sadd.s32 $0x8F2B, s0  }
0xc0: {  	[sflag:s0] =	ssyncadd.remote.s32 $0x1  }
0xc1: {  	_ =	sfence.sel $0xFFFF  }
0xc2: {  	[dreg:$0x0] =	wrdreg $0xFFFFFFFF;
	(pc) =	sbr.abs _section_cstart, $3  }
0xc3: {  	[dreg:$0x1] =	wrdreg $0xFFFFFFFF  }
0xc4: {  	_ =	task.clear_ibuf [dreg:s9], $0x2FFFF;
	_ =	strace $0x9FFFFFFF  }
0xc5: {  	(tm) =	ssettm $0x7FFFFFFF  }
tec
execute0_lowered:
.L_overlay_start_1:
0x0: {  	(tag) =	ssettag $0x1  }
0x1: {  	s0 =	rddreg [dreg:$0x0]  }
0x2: {  	s1 =	srdreg.scid;
	s2 =	rddreg [dreg:$0x1]  }
0x3: {  	s9 =	stileid.u32;
	s6 =	rddreg [dreg:$0x2]  }
0x4: {  	s3 =	simm.s32 $0x0;
	s12 =	simm.s32 $0x80;
	s13 =	simm.s32 $0x1C00  }
0x5: {  	s16 =	simm.s32 $0x9C00;
	s19 =	simm.s32 $0x11C00;
	s20 =	simm.s32 $0x1  }
0x6: {  	s21 =	simm.s32 $0x3;
	s22 =	simm.s32 $0x5;
	s23 =	simm.s32 $0x6  }
0x7: {  	s24 =	simm.s32 $0x7;
	s28 =	simm.s32 $0xA;
	s29 =	simm.s32 $0x0  }
0x8: {  	s1 =	sand.u32 $0x1, s1;
	s4 =	sshll.u32 s9, $0x8;
	[smem:$0x7FF] =	sst s3  }
0x9: {  	s30 =	sshll.u32 s9, $0xC;
	s5 =	sshll.u32 s1, $0x7;
	s25 =	ssub.s32 $0x2, s1  }
0xa: {  	_ =	strace $0x80000047;
	s1 =	sshll.u32 s1, $0xB;
	s4 =	sor.u32 s5, s4  }
0xb: {  	s8 =	sshrl.u32 s25, $0x1;
	s7 =	sshll.u32 s4, $0x4;
	s4 =	sadd.s32 s0, s4  }
0xc: {  	s8 =	ssub.s32 s25, s8;
	[dreg:$0x6] =	wrdreg s4;
	s4 =	sadd.s32 $0x6000, s4  }
0xd: {  	s7 =	sadd.s32 s7, s6;
	s31 =	smax.u32 s8, $0x1;
	[dreg:$0x7] =	wrdreg s4  }
0xe: {  	s0 =	sadd.s32 s30, s6;
	s26 =	sadd.s32 $0x2E0000, s7;
	[dreg:$0x8] =	wrdreg s31  }
0xf: {  	s25 =	simm.s32 $0x8;
	s7 =	sadd.s32 $0x300000, s7;
	[dreg:$0x4] =	wrdreg s26  }
0x10: {  	[dreg:$0x5] =	wrdreg s7;
	s7 =	sadd.s32 s1, s0;
	s26 =	simm.s32 $0x9  }
.LBB2_1:
0x11: {  	s0 =	rddreg [dreg:$0x6];
	s1 =	simm.s32 $0x400;
	s4 =	simm.s32 $0x8000  }
0x12: {  	[tilespmem:s3], [sflag:$0xB] =	stream.strided.gather [hbm4b:s0+s1], $0x1800, s4, s1, $0x38;
	[tilespmem:$0x15C00] =	vst v63  }
0x13: {  	s6 =	rddreg [dreg:$0x7];
	s8 =	simm.s32 $0x1800;
	s9 =	simm.s32 $0xB  }
0x14: {  	[tilespmem:s8], [sflag:$0xB] =	stream.linear.gather [hbm4b:s6+s3], $0x100, $0x38;
	[tilespmem:$0x15C00] =	vst v63  }
0x15: {  	_ =	swait.ge [sflag:s9], $0x1900  }
0x16: {  	[sflag:s9] =	ssyncset.done $0x0  }
0x17: {  	[sflag:s9] =	ssyncadd.s32 $0xFFFFE700  }
0x18: {  	[tilespmem:s13], [sflag:$0x1] =	stream.indirect.gather [hbm4b:s2+s12], $0x80, s3, s12, $0xb8;
	[tilespmem:$0x15C00] =	vst v63  }
0x19: {  	s10 =	simm.s32 $0x5C00  }
0x1a: {  	[tilespmem:s10], [sflag:$0x2] =	stream.indirect.gather [hbm4b:s2+s12], $0x80, s12, s12, $0xb8;
	[tilespmem:$0x15C00] =	vst v63  }
0x1b: {  	s11 =	simm.s32 $0x100;
	p0 =	por $0x1, $0x1  }
0x1c: {  	[tilespmem:s16], [sflag:$0x3] =	stream.indirect.gather [hbm4b:s2+s12], $0x80, s11, s12, $0xb8;
	[tilespmem:$0x15C00] =	vst v63  }
0x1d: {  	s14 =	simm.s32 $0x180;
	s15 =	simm.s32 $0xDC00;
	s0 =	simm.s32 @!p0 $0xA  }
0x1e: {  	[tilespmem:s15], [sflag:$0x4] =	stream.indirect.gather [hbm4b:s2+s12], $0x80, s14, s12, $0xb8;
	[tilespmem:$0x15C00] =	vst v63  }
0x1f: {  	_ =	swait.ge @!p0 [sflag:s0], $0x4000  }
0x20: {  	[sflag:s0] =	ssyncset.done @!p0 $0x0  }
0x21: {  	s17 =	simm.s32 $0x200;
	[sflag:s0] =	ssyncadd.s32 @!p0 $0xFFFFC000  }
0x22: {  	[tilespmem:s19], [sflag:$0x5] =	stream.indirect.gather [hbm4b:s2+s12], $0x80, s17, s12, $0xb8;
	[tilespmem:$0x15C00] =	vst v63  }
0x23: {  	_ =	swait.ge [sflag:s20], $0x4000  }
0x24: {  	p0 =	por $0x0, $0x0;
	[sflag:s20] =	ssyncset.done $0x0  }
0x25: {  	s0 =	simm.s32 @p0 $0x2;
	[sflag:s20] =	ssyncadd.s32 $0xFFFFC000  }
0x26: {  	[hbm4b:s7+s3] =	stream.linear.scatter [tilespmem:s13], [sflag:$0x6], $0x4000, $0x38;
	[tilespmem:$0x15C00] =	vst v63  }
0x27: {  	_ =	swait.ge @p0 [sflag:s0], $0x4000  }
0x28: {  	s8 =	simm.s32 @p0 $0x5C00;
	s9 =	simm.s32 @!p0 $0x6;
	[sflag:s0] =	ssyncset.done @p0 $0x0  }
0x29: {  	s1 =	rddreg [dreg:$0x4];
	[sflag:s0] =	ssyncadd.s32 @p0 $0xFFFFC000;
	s0 =	simm.s32 @p0 $0x0  }
0x2a: {  	[hbm4b:s1+s0] =	stream.linear.scatter @p0 [tilespmem:s8], [sflag:$0x7], $0x4000, $0x38;
	[tilespmem:$0x15C00] =	vst v63  }
0x2b: {  	_ =	swait.ge @!p0 [sflag:s9], $0x4000  }
0x2c: {  	s10 =	simm.s32 @!p0 $0x1C00;
	s1 =	simm.s32 @!p0 $0x280;
	[sflag:s9] =	ssyncset.done @!p0 $0x0  }
0x2d: {  	s8 =	simm.s32 @!p0 $0x80;
	[sflag:s9] =	ssyncadd.s32 @!p0 $0xFFFFC000;
	s9 =	simm.s32 @!p0 $0x2  }
0x2e: {  	[tilespmem:s10], [sflag:$0x1] =	stream.indirect.gather @!p0 [hbm4b:s2+s8], $0x80, s1, s8, $0xb8;
	[tilespmem:$0x15C00] =	vst v63  }
0x2f: {  	_ =	swait.ge @!p0 [sflag:s9], $0x4000  }
0x30: {  	s14 =	simm.s32 @!p0 $0x0;
	s1 =	simm.s32 @!p0 $0x5C00;
	[sflag:s9] =	ssyncset.done @!p0 $0x0  }
0x31: {  	s10 =	sadd.s32 @!p0 $0x10000, s7;
	[sflag:s9] =	ssyncadd.s32 @!p0 $0xFFFFC000;
	s9 =	simm.s32 @!p0 $0x7  }
0x32: {  	[hbm4b:s10+s14] =	stream.linear.scatter @!p0 [tilespmem:s1], [sflag:$0x7], $0x4000, $0x38;
	[tilespmem:$0x15C00] =	vst v63  }
0x33: {  	_ =	swait.ge @!p0 [sflag:s9], $0x4000  }
0x34: {  	[sflag:s9] =	ssyncset.done @!p0 $0x0  }
0x35: {  	s10 =	simm.s32 @!p0 $0x300;
	[sflag:s9] =	ssyncadd.s32 @!p0 $0xFFFFC000  }
0x36: {  	[tilespmem:s1], [sflag:$0x2] =	stream.indirect.gather @!p0 [hbm4b:s2+s8], $0x80, s10, s8, $0xb8;
	[tilespmem:$0x15C00] =	vst v63  }
0x37: {  	_ =	swait.ge [sflag:s21], $0x4000  }
0x38: {  	[sflag:s21] =	ssyncset.done $0x0  }
0x39: {  	s18 =	sadd.s32 $0x20000, s7;
	s9 =	simm.s32 @p0 $0x4;
	[sflag:s21] =	ssyncadd.s32 $0xFFFFC000  }
0x3a: {  	[hbm4b:s18+s3] =	stream.linear.scatter [tilespmem:s16], [sflag:$0x8], $0x4000, $0x38;
	[tilespmem:$0x15C00] =	vst v63  }
0x3b: {  	_ =	swait.ge @p0 [sflag:s9], $0x4000  }
0x3c: {  	s10 =	simm.s32 @!p0 $0x8;
	[sflag:s9] =	ssyncset.done @p0 $0x0  }
0x3d: {  	s1 =	rddreg [dreg:$0x5];
	[sflag:s9] =	ssyncadd.s32 @p0 $0xFFFFC000;
	s9 =	simm.s32 @p0 $0xDC00  }
0x3e: {  	[hbm4b:s1+s0] =	stream.linear.scatter @p0 [tilespmem:s9], [sflag:$0x9], $0x4000, $0x38;
	[tilespmem:$0x15C00] =	vst v63  }
0x3f: {  	_ =	swait.ge @!p0 [sflag:s10], $0x4000  }
0x40: {  	s0 =	simm.s32 @!p0 $0x380;
	[sflag:s10] =	ssyncset.done @!p0 $0x0  }
0x41: {  	s1 =	simm.s32 @!p0 $0x9C00;
	s9 =	simm.s32 @!p0 $0x4;
	[sflag:s10] =	ssyncadd.s32 @!p0 $0xFFFFC000  }
0x42: {  	[tilespmem:s1], [sflag:$0x3] =	stream.indirect.gather @!p0 [hbm4b:s2+s8], $0x80, s0, s8, $0xb8;
	[tilespmem:$0x15C00] =	vst v63  }
0x43: {  	_ =	swait.ge @!p0 [sflag:s9], $0x4000  }
0x44: {  	s10 =	simm.s32 @!p0 $0xDC00;
	[sflag:s9] =	ssyncset.done @!p0 $0x0  }
0x45: {  	s0 =	sadd.s32 @!p0 $0x30000, s7;
	[sflag:s9] =	ssyncadd.s32 @!p0 $0xFFFFC000;
	s9 =	simm.s32 @!p0 $0x9  }
0x46: {  	[hbm4b:s0+s14] =	stream.linear.scatter @!p0 [tilespmem:s10], [sflag:$0x9], $0x4000, $0x38;
	[tilespmem:$0x15C00] =	vst v63  }
0x47: {  	s31 =	sadd.s32 $0x50000, s7;
	p1 =	por $0x0, $0x0;
	_ =	swait.ge @!p0 [sflag:s9], $0x4000  }
0x48: {  	s30 =	sadd.s32 $0x40000, s31;
	s1 =	simm.s32 $0xA00;
	[sflag:s9] =	ssyncset.done @!p0 $0x0  }
0x49: {  	s0 =	simm.s32 @!p0 $0x400;
	[sflag:s9] =	ssyncadd.s32 @!p0 $0xFFFFC000;
	s9 =	sadd.s32 $0x50000, s31  }
0x4a: {  	[tilespmem:s10], [sflag:$0x4] =	stream.indirect.gather @!p0 [hbm4b:s2+s8], $0x80, s0, s8, $0xb8;
	[tilespmem:$0x15C00] =	vst v63  }
0x4b: {  	s0 =	sadd.s32 $0x40000, s7;
	s8 =	simm.s32 $0x1400;
	_ =	swait.ge [sflag:s22], $0x4000  }
.LBB2_2:
0x4c: {  	[sflag:s22] =	ssyncset.done $0x0  }
0x4d: {  	s10 =	simm.s32 @!p1 $0xA;
	[sflag:s22] =	ssyncadd.s32 $0xFFFFC000  }
0x4e: {  	[hbm4b:s0+s3] =	stream.linear.scatter [tilespmem:s19], [sflag:$0xA], $0x4000, $0x38;
	[tilespmem:$0x15C00] =	vst v63  }
0x4f: {  	_ =	swait.ge @!p1 [sflag:s10], $0x4000  }
0x50: {  	s17 =	sshra.s32 s1, $0x2;
	[sflag:s10] =	ssyncset.done @!p1 $0x0  }
0x51: {  	s14 =	smov.u32 s8;
	s17 =	sadd.s32 $0x200, s17;
	[sflag:s10] =	ssyncadd.s32 @!p1 $0xFFFFC000  }
0x52: {  	[tilespmem:s19], [sflag:$0x5] =	stream.indirect.gather [hbm4b:s2+s12], $0x80, s17, s12, $0xb8;
	[tilespmem:$0x15C00] =	vst v63  }
0x53: {  	s15 =	sadd.s32 $0x40000, s9;
	s0 =	smov.u32 s30;
	_ =	swait.ge [sflag:s20], $0x4000  }
0x54: {  	s30 =	smov.u32 s15;
	p1 =	seq.s32 s1, $0x5A00;
	[sflag:s20] =	ssyncset.done $0x0  }
0x55: {  	s10 =	simm.s32 @p1 $0x2;
	s1 =	sshra.s32 @!p1 s1, $0x2;
	[sflag:s20] =	ssyncadd.s32 $0xFFFFC000  }
0x56: {  	[hbm4b:s31+s3] =	stream.linear.scatter [tilespmem:s13], [sflag:$0x6], $0x4000, $0x38;
	[tilespmem:$0x15C00] =	vst v63  }
0x57: {  	s6 =	simm.s32 @p1 $0x0;
	s4 =	simm.s32 @p1 $0x5C00;
	_ =	swait.ge @p1 [sflag:s10], $0x4000  }
0x58: {  	s11 =	simm.s32 @!p1 $0x6;
	s17 =	sadd.s32 @!p1 $0x280, s1;
	[sflag:s10] =	ssyncset.done @p1 $0x0  }
0x59: {  	s18 =	sadd.s32 @!p1 $0x300, s1;
	s5 =	rddreg [dreg:$0x4];
	[sflag:s10] =	ssyncadd.s32 @p1 $0xFFFFC000  }
0x5a: {  	[hbm4b:s5+s6] =	stream.linear.scatter @p1 [tilespmem:s4], [sflag:$0x7], $0x4000, $0x38;
	[tilespmem:$0x15C00] =	vst v63  }
0x5b: {  	s15 =	sadd.s32 @!p1 $0x380, s1;
	s10 =	sadd.s32 @!p1 $0x400, s1;
	_ =	swait.ge @!p1 [sflag:s11], $0x4000  }
0x5c: {  	s1 =	smov.u32 s14;
	s14 =	simm.s32 @!p1 $0x80;
	[sflag:s11] =	ssyncset.done @!p1 $0x0  }
0x5d: {  	s4 =	simm.s32 @!p1 $0x1C00;
	s5 =	simm.s32 @!p1 $0x2;
	[sflag:s11] =	ssyncadd.s32 @!p1 $0xFFFFC000  }
0x5e: {  	[tilespmem:s4], [sflag:$0x1] =	stream.indirect.gather @!p1 [hbm4b:s2+s14], $0x80, s17, s14, $0xb8;
	[tilespmem:$0x15C00] =	vst v63  }
0x5f: {  	_ =	swait.ge @!p1 [sflag:s5], $0x4000  }
0x60: {  	s11 =	sadd.s32 @!p1 $0x10000, s31;
	s4 =	simm.s32 @!p1 $0x5C00;
	[sflag:s5] =	ssyncset.done @!p1 $0x0  }
0x61: {  	s17 =	simm.s32 @!p1 $0x0;
	[sflag:s5] =	ssyncadd.s32 @!p1 $0xFFFFC000;
	s5 =	simm.s32 @!p1 $0x7  }
0x62: {  	[hbm4b:s11+s17] =	stream.linear.scatter @!p1 [tilespmem:s4], [sflag:$0x7], $0x4000, $0x38;
	[tilespmem:$0x15C00] =	vst v63  }
0x63: {  	_ =	swait.ge @!p1 [sflag:s5], $0x4000  }
0x64: {  	[sflag:s5] =	ssyncset.done @!p1 $0x0  }
0x65: {  	[sflag:s5] =	ssyncadd.s32 @!p1 $0xFFFFC000  }
0x66: {  	[tilespmem:s4], [sflag:$0x2] =	stream.indirect.gather @!p1 [hbm4b:s2+s14], $0x80, s18, s14, $0xb8;
	[tilespmem:$0x15C00] =	vst v63  }
0x67: {  	_ =	swait.ge [sflag:s21], $0x4000  }
0x68: {  	[sflag:s21] =	ssyncset.done $0x0  }
0x69: {  	s5 =	simm.s32 @p1 $0x4;
	s18 =	sadd.s32 $0x20000, s31;
	[sflag:s21] =	ssyncadd.s32 $0xFFFFC000  }
0x6a: {  	[hbm4b:s18+s3] =	stream.linear.scatter [tilespmem:s16], [sflag:$0x8], $0x4000, $0x38;
	[tilespmem:$0x15C00] =	vst v63  }
0x6b: {  	_ =	swait.ge @p1 [sflag:s5], $0x4000  }
0x6c: {  	s11 =	simm.s32 @!p1 $0x8;
	[sflag:s5] =	ssyncset.done @p1 $0x0  }
0x6d: {  	s4 =	rddreg [dreg:$0x5];
	[sflag:s5] =	ssyncadd.s32 @p1 $0xFFFFC000;
	s5 =	simm.s32 @p1 $0xDC00  }
0x6e: {  	[hbm4b:s4+s6] =	stream.linear.scatter @p1 [tilespmem:s5], [sflag:$0x9], $0x4000, $0x38;
	[tilespmem:$0x15C00] =	vst v63  }
0x6f: {  	_ =	swait.ge @!p1 [sflag:s11], $0x4000  }
0x70: {  	[sflag:s11] =	ssyncset.done @!p1 $0x0  }
0x71: {  	s4 =	simm.s32 @!p1 $0x9C00;
	s5 =	simm.s32 @!p1 $0x4;
	[sflag:s11] =	ssyncadd.s32 @!p1 $0xFFFFC000  }
0x72: {  	[tilespmem:s4], [sflag:$0x3] =	stream.indirect.gather @!p1 [hbm4b:s2+s14], $0x80, s15, s14, $0xb8;
	[tilespmem:$0x15C00] =	vst v63  }
0x73: {  	s8 =	sadd.s32 $0xA00, s8;
	_ =	swait.ge @!p1 [sflag:s5], $0x4000  }
0x74: {  	p0 =	sne.s32 s8, $0x6400;
	s6 =	simm.s32 @!p1 $0xDC00;
	[sflag:s5] =	ssyncset.done @!p1 $0x0  }
0x75: {  	s4 =	sadd.s32 @!p1 $0x30000, s31;
	[sflag:s5] =	ssyncadd.s32 @!p1 $0xFFFFC000;
	s5 =	simm.s32 @!p1 $0x9  }
0x76: {  	[hbm4b:s4+s17] =	stream.linear.scatter @!p1 [tilespmem:s6], [sflag:$0x9], $0x4000, $0x38;
	[tilespmem:$0x15C00] =	vst v63  }
.Ltmp0:
0x77: {  	_ =	swait.ge @!p1 [sflag:s5], $0x4000;
	(pc) =	sbr.rel @p0 .LBB2_2-.Ltmp0, $4  }
0x78: {  	[sflag:s5] =	ssyncset.done @!p1 $0x0  }
0x79: {  	s31 =	smov.u32 s9;
	[sflag:s5] =	ssyncadd.s32 @!p1 $0xFFFFC000  }
0x7a: {  	[tilespmem:s6], [sflag:$0x4] =	stream.indirect.gather @!p1 [hbm4b:s2+s14], $0x80, s10, s14, $0xb8;
	[tilespmem:$0x15C00] =	vst v63  }
0x7b: {  	s9 =	sadd.s32 $0x50000, s9;
	p1 =	seq.s32 s1, $0x0;
	_ =	swait.ge [sflag:s22], $0x4000  }
0x7c: {  	[sflag:s22] =	ssyncset.done $0x0  }
0x7d: {  	s4 =	simm.s32 @!p1 $0xA;
	[sflag:s22] =	ssyncadd.s32 $0xFFFFC000  }
0x7e: {  	[hbm4b:s0+s3] =	stream.linear.scatter [tilespmem:s19], [sflag:$0xA], $0x4000, $0x38;
	[tilespmem:$0x15C00] =	vst v63  }
0x7f: {  	_ =	swait.ge @!p1 [sflag:s4], $0x4000  }
0x80: {  	s17 =	sshra.s32 s1, $0x2;
	[sflag:s4] =	ssyncset.done @!p1 $0x0  }
0x81: {  	s0 =	sadd.s32 $0x200, s17;
	[sflag:s4] =	ssyncadd.s32 @!p1 $0xFFFFC000  }
0x82: {  	[tilespmem:s19], [sflag:$0x5] =	stream.indirect.gather [hbm4b:s2+s12], $0x80, s0, s12, $0xb8;
	[tilespmem:$0x15C00] =	vst v63  }
0x83: {  	_ =	swait.ge [sflag:s20], $0x4000  }
0x84: {  	p0 =	seq.s32 s1, $0x5A00;
	[sflag:s20] =	ssyncset.done $0x0  }
0x85: {  	s0 =	simm.s32 @p0 $0x2;
	[sflag:s20] =	ssyncadd.s32 $0xFFFFC000  }
0x86: {  	[hbm4b:s31+s3] =	stream.linear.scatter [tilespmem:s13], [sflag:$0x6], $0x4000, $0x38;
	[tilespmem:$0x15C00] =	vst v63  }
0x87: {  	_ =	swait.ge @p0 [sflag:s0], $0x4000  }
0x88: {  	s5 =	simm.s32 @p0 $0x5C00;
	s6 =	simm.s32 @!p0 $0x6;
	[sflag:s0] =	ssyncset.done @p0 $0x0  }
0x89: {  	s4 =	rddreg [dreg:$0x4];
	[sflag:s0] =	ssyncadd.s32 @p0 $0xFFFFC000;
	s0 =	simm.s32 @p0 $0x0  }
0x8a: {  	[hbm4b:s4+s0] =	stream.linear.scatter @p0 [tilespmem:s5], [sflag:$0x7], $0x4000, $0x38;
	[tilespmem:$0x15C00] =	vst v63  }
0x8b: {  	s1 =	sshra.s32 @!p0 s1, $0x2;
	_ =	swait.ge @!p0 [sflag:s6], $0x4000  }
0x8c: {  	s8 =	simm.s32 @!p0 $0x1C00;
	s4 =	sadd.s32 @!p0 $0x280, s1;
	[sflag:s6] =	ssyncset.done @!p0 $0x0  }
0x8d: {  	s5 =	simm.s32 @!p0 $0x80;
	[sflag:s6] =	ssyncadd.s32 @!p0 $0xFFFFC000;
	s6 =	simm.s32 @!p0 $0x2  }
0x8e: {  	[tilespmem:s8], [sflag:$0x1] =	stream.indirect.gather @!p0 [hbm4b:s2+s5], $0x80, s4, s5, $0xb8;
	[tilespmem:$0x15C00] =	vst v63  }
0x8f: {  	_ =	swait.ge @!p0 [sflag:s6], $0x4000  }
0x90: {  	s4 =	simm.s32 @!p0 $0x5C00;
	[sflag:s6] =	ssyncset.done @!p0 $0x0  }
0x91: {  	s8 =	sadd.s32 @!p0 $0x10000, s31;
	[sflag:s6] =	ssyncadd.s32 @!p0 $0xFFFFC000;
	s6 =	simm.s32 @!p0 $0x0  }
0x92: {  	[hbm4b:s8+s6] =	stream.linear.scatter @!p0 [tilespmem:s4], [sflag:$0x7], $0x4000, $0x38;
	[tilespmem:$0x15C00] =	vst v63  }
0x93: {  	s8 =	simm.s32 @!p0 $0x7  }
0x94: {  	_ =	swait.ge @!p0 [sflag:s8], $0x4000  }
0x95: {  	[sflag:s8] =	ssyncset.done @!p0 $0x0  }
0x96: {  	[sflag:s8] =	ssyncadd.s32 @!p0 $0xFFFFC000;
	s8 =	sadd.s32 @!p0 $0x300, s1  }
0x97: {  	[tilespmem:s4], [sflag:$0x2] =	stream.indirect.gather @!p0 [hbm4b:s2+s5], $0x80, s8, s5, $0xb8;
	[tilespmem:$0x15C00] =	vst v63  }
0x98: {  	_ =	swait.ge [sflag:s21], $0x4000  }
0x99: {  	[sflag:s21] =	ssyncset.done $0x0  }
0x9a: {  	s18 =	sadd.s32 $0x20000, s31;
	s8 =	simm.s32 @p0 $0x4;
	[sflag:s21] =	ssyncadd.s32 $0xFFFFC000  }
0x9b: {  	[hbm4b:s18+s3] =	stream.linear.scatter [tilespmem:s16], [sflag:$0x8], $0x4000, $0x38;
	[tilespmem:$0x15C00] =	vst v63  }
0x9c: {  	_ =	swait.ge @p0 [sflag:s8], $0x4000  }
0x9d: {  	[sflag:s8] =	ssyncset.done @p0 $0x0  }
0x9e: {  	s4 =	rddreg [dreg:$0x5];
	[sflag:s8] =	ssyncadd.s32 @p0 $0xFFFFC000;
	s8 =	simm.s32 @p0 $0xDC00  }
0x9f: {  	[hbm4b:s4+s0] =	stream.linear.scatter @p0 [tilespmem:s8], [sflag:$0x9], $0x4000, $0x38;
	[tilespmem:$0x15C00] =	vst v63  }
0xa0: {  	s0 =	simm.s32 @!p0 $0x8  }
0xa1: {  	_ =	swait.ge @!p0 [sflag:s0], $0x4000  }
0xa2: {  	[sflag:s0] =	ssyncset.done @!p0 $0x0  }
0xa3: {  	s4 =	sadd.s32 @!p0 $0x380, s1;
	[sflag:s0] =	ssyncadd.s32 @!p0 $0xFFFFC000;
	s0 =	simm.s32 @!p0 $0x9C00  }
0xa4: {  	[tilespmem:s0], [sflag:$0x3] =	stream.indirect.gather @!p0 [hbm4b:s2+s5], $0x80, s4, s5, $0xb8;
	[tilespmem:$0x15C00] =	vst v63  }
0xa5: {  	s0 =	simm.s32 @!p0 $0x4  }
0xa6: {  	_ =	swait.ge @!p0 [sflag:s0], $0x4000  }
0xa7: {  	[sflag:s0] =	ssyncset.done @!p0 $0x0  }
0xa8: {  	s4 =	sadd.s32 @!p0 $0x30000, s31;
	[sflag:s0] =	ssyncadd.s32 @!p0 $0xFFFFC000;
	s0 =	simm.s32 @!p0 $0xDC00  }
0xa9: {  	[hbm4b:s4+s6] =	stream.linear.scatter @!p0 [tilespmem:s0], [sflag:$0x9], $0x4000, $0x38;
	[tilespmem:$0x15C00] =	vst v63  }
0xaa: {  	s4 =	simm.s32 @!p0 $0x9  }
0xab: {  	_ =	swait.ge @!p0 [sflag:s4], $0x4000  }
0xac: {  	[sflag:s4] =	ssyncset.done @!p0 $0x0  }
0xad: {  	s1 =	sadd.s32 @!p0 $0x400, s1;
	[sflag:s4] =	ssyncadd.s32 @!p0 $0xFFFFC000  }
0xae: {  	[tilespmem:s0], [sflag:$0x4] =	stream.indirect.gather @!p0 [hbm4b:s2+s5], $0x80, s1, s5, $0xb8;
	[tilespmem:$0x15C00] =	vst v63  }
0xaf: {  	_ =	swait.ge [sflag:s22], $0x4000  }
0xb0: {  	[sflag:s22] =	ssyncset.done $0x0  }
0xb1: {  	[sflag:s22] =	ssyncadd.s32 $0xFFFFC000  }
0xb2: {  	[hbm4b:s30+s3] =	stream.linear.scatter [tilespmem:s19], [sflag:$0xA], $0x4000, $0x38;
	[tilespmem:$0x15C00] =	vst v63  }
0xb3: {  	_ =	swait.ge [sflag:s23], $0x4000  }
0xb4: {  	[sflag:s23] =	ssyncset.done $0x0  }
0xb5: {  	[sflag:s23] =	ssyncadd.s32 $0xFFFFC000  }
0xb6: {  	_ =	swait.ge [sflag:s24], $0x4000  }
0xb7: {  	[sflag:s24] =	ssyncset.done $0x0  }
0xb8: {  	[sflag:s24] =	ssyncadd.s32 $0xFFFFC000  }
0xb9: {  	_ =	swait.ge [sflag:s25], $0x4000  }
0xba: {  	[sflag:s25] =	ssyncset.done $0x0  }
0xbb: {  	[sflag:s25] =	ssyncadd.s32 $0xFFFFC000  }
0xbc: {  	_ =	swait.ge [sflag:s26], $0x4000  }
0xbd: {  	[sflag:s26] =	ssyncset.done $0x0  }
0xbe: {  	[sflag:s26] =	ssyncadd.s32 $0xFFFFC000  }
0xbf: {  	_ =	swait.ge [sflag:s28], $0x4000  }
0xc0: {  	s29 =	sadd.s32 $0x1, s29;
	s31 =	rddreg [dreg:$0x8]  }
0xc1: {  	p0 =	sne.s32 s29, s31  }
.Ltmp1:
0xc2: {  	_ = 	snop;
	(pc) =	sbr.rel @p0 .LBB2_1-.Ltmp1, $3  }
0xc3: {  	_ =	sdelay $0x1  }
0xc4: {  	[sflag:s28] =	ssyncset.done $0x0  }
0xc5: {  	[sflag:s28] =	ssyncadd.s32 $0xFFFFC000  }
0xc6: {  	_ =	sfence.sel $0x180000  }
0xc7: {  	[bflag:$0x0] =	sbarrier.arrive $0xFFFF  }
0xc8: {  	_ =	strace $0x90000047  }
0xc9: {  	s0 =	stileid.u32;
	[bflag:$0x2] =	sbarrier.arrive $0xFFFF  }
0xca: {  	p0 =	sne.s32 s0, $0x0;
	s0 =	rddreg [dreg:$0x3]  }
0xcb: {  	s0 =	sadd.s32 @!p0 $0x100000, s0  }
0xcc: {  	[sflag:s0] =	ssyncadd.tile.s32 @!p0 $0x1;
	_ =	shalt  }
.Lfunc_end2:
_tile_overlayer_lowered:
.L_overlay_start_2:
0xcd: {  	(tag) =	ssettag $0x2  }
0xce: {  	s0 =	rddreg [dreg:$0x0];
	s2 =	stileid.u32  }
0xcf: {  	s1 =	rddreg [dreg:$0x1];
	p0 =	sne.s32 s2, $0x0  }
0xd0: {  	s3 =	rddreg [dreg:$0x2];
	[bflag:$0x3] =	sbarrier.arrive $0xFFFF;
	s2 =	simm.s32 @!p0 $0x1C0B  }
0xd1: {  	[timem:s3], [sflag:s2] =	dma.local @!p0 [hbm:s0], s1  }
0xd2: {  	s0 =	simm.s32 @!p0 $0xB  }
0xd3: {  	_ =	swait.ge @!p0 [sflag:s0], s1  }
0xd4: {  	s1 =	ssub.s32 @!p0 $0x0, s1;
	[sflag:s0] =	ssyncset.done @!p0 $0x0  }
0xd5: {  	[sflag:s0] =	ssyncadd.s32 @!p0 s1  }
0xd6: {  	[bflag:$0x3] =	sbarrier.arrive $0xFFFF  }
0xd7: {  	_ =	shalt  }

</sc_bundles>
